<compile_context>
chip_gen: v7x
topology: tpu7x:2x2x1
jax: 0.10.2.dev20260603
libtpu: 0.0.44.dev20260713+nightly
codegen_flags: <defaults>
</compile_context>

<pallas_src>
import functools

import jax
import jax.numpy as jnp
from jax import lax
from jax.experimental import pallas as pl
from jax.experimental.pallas import tpu as pltpu
from jax.experimental.pallas import tpu_sc as plsc

B = 4096
T = 50
D = 64
DOW = 7


_NC = 2
_NS = 16
_NW = _NC * _NS
_BPW = B // _NW


def _sc_gather_body(item_hbm, user_hbm, e_item_hbm, e_user_hbm,
                    out_item, out_user, idx_v, rows_v, sem):
    wid = lax.axis_index("s") * _NC + lax.axis_index("c")
    base = wid * _BPW
    pltpu.sync_copy(item_hbm.at[pl.ds(base, _BPW)], idx_v)
    pltpu.async_copy(e_item_hbm.at[idx_v], rows_v, sem).wait()
    pltpu.sync_copy(rows_v, out_item.at[pl.ds(base, _BPW)])
    pltpu.sync_copy(user_hbm.at[pl.ds(base, _BPW)], idx_v)
    pltpu.async_copy(e_user_hbm.at[idx_v], rows_v, sem).wait()
    pltpu.sync_copy(rows_v, out_user.at[pl.ds(base, _BPW)])


def _sc_gather(item_id, user_id, e_item, e_user):
    mesh = plsc.VectorSubcoreMesh(core_axis_name="c", subcore_axis_name="s")
    k = functools.partial(
        pl.kernel,
        mesh=mesh,
        out_type=[
            jax.ShapeDtypeStruct((B, D), jnp.float32),
            jax.ShapeDtypeStruct((B, D), jnp.float32),
        ],
        scratch_types=[
            pltpu.VMEM((_BPW,), jnp.int32),
            pltpu.VMEM((_BPW, D), jnp.float32),
            pltpu.SemaphoreType.DMA,
        ],
        compiler_params=pltpu.CompilerParams(use_tc_tiling_on_sc=False),
    )(_sc_gather_body)
    return k(item_id, user_id, e_item, e_user)



_BL = 128


def _dense_body(dow_ref, time_ref, sales_ref, price_ref,
                edow_ref, wt_ref, bt_ref, ws_ref, bs_ref, wp_ref, bp_ref,
                p_ref, o_ref):
    tt = time_ref[...][:, None, :]
    p_ref[:, :D, :] = tt * wt_ref[...] + bt_ref[...]
    dow3 = dow_ref[...][:, None, :]
    sel = jnp.zeros((T, D, _BL), jnp.float32)
    for k in range(DOW):
        sel = jnp.where(dow3 == k, edow_ref[k], sel)
    p_ref[:, D:, :] = sel

    sl3 = sales_ref[...][:, None, :]
    o_ref[:, :D, :] = sl3 * ws_ref[...] + bs_ref[...]
    pr3 = price_ref[...][:, None, :]
    o_ref[:, D:, :] = pr3 * wp_ref[...] + bp_ref[...]


def _dense(dow_t, time_t, sales_t, price_t,
           edow_c, wt_c, bt_c, ws_c, bs_c, wp_c, bp_c):
    grid = (B // _BL,)
    bt = pl.BlockSpec((T, _BL), lambda i: (0, i))
    full = lambda shape: pl.BlockSpec(shape, lambda i: tuple(0 for _ in shape))
    return pl.pallas_call(
        _dense_body,
        grid=grid,
        in_specs=[
            bt, bt, bt, bt,
            full((DOW, D, 1)),
            full((D, 1)), full((D, 1)),
            full((D, 1)), full((D, 1)),
            full((D, 1)), full((D, 1)),
        ],
        out_specs=[
            pl.BlockSpec((T, 2 * D, _BL), lambda i: (0, 0, i)),
            pl.BlockSpec((T, 2 * D, _BL), lambda i: (0, 0, i)),
        ],
        out_shape=[
            jax.ShapeDtypeStruct((T, 2 * D, B), jnp.float32),
            jax.ShapeDtypeStruct((T, 2 * D, B), jnp.float32),
        ],
    )(dow_t, time_t, sales_t, price_t,
      edow_c, wt_c, bt_c, ws_c, bs_c, wp_c, bp_c)


def kernel(item_id, user_id, day_of_week, time_idx, sales, price,
           E_item, E_user, E_dow, W_time, b_time,
           W_sales, b_sales, W_price, b_price):
    s_item, s_user = _sc_gather(item_id, user_id, E_item, E_user)

    p_phys, o_phys = _dense(
        day_of_week.T, time_idx.T, sales.T, price.T,
        E_dow[:, :, None],
        W_time.reshape(D, 1), b_time.reshape(D, 1),
        W_sales.reshape(D, 1), b_sales.reshape(D, 1),
        W_price.reshape(D, 1), b_price.reshape(D, 1))

    s = jnp.stack([s_item, s_user], axis=1)
    p = p_phys.reshape(T, 2, D, B).transpose(3, 0, 1, 2)
    o = o_phys.reshape(T, 2, D, B).transpose(3, 0, 1, 2)
    return (s, p, o)

# --- scband reference (transcript-rebuilt; emitter-appended) ---
"""Pipeline reference for scband-input-embedding-73830487818764 (READ-ONLY COPY).

The authoritative reference and input builder live on the scoring server;
editing this copy changes nothing except your own understanding.
"""

import jax, jax.numpy as jnp
import numpy as np

B = 4096
T = 50
D = 64
V = 100000
DOW = 7


def setup_inputs(seed: int = 0) -> dict:
    key = jax.random.key(seed)
    ks = jax.random.split(key, 16)
    item_id = jax.random.randint(ks[0], (B,), 0, V)
    user_id = jax.random.randint(ks[1], (B,), 0, V)
    day_of_week = jax.random.randint(ks[2], (B, T), 0, DOW)
    time_idx = jax.random.uniform(ks[3], (B, T), dtype=jnp.float32)
    sales = jax.random.normal(ks[4], (B, T), dtype=jnp.float32)
    price = jax.random.normal(ks[5], (B, T), dtype=jnp.float32)
    E_item = jax.random.normal(ks[6], (V, D), dtype=jnp.float32) * 0.02
    E_user = jax.random.normal(ks[7], (V, D), dtype=jnp.float32) * 0.02
    E_dow = jax.random.normal(ks[8], (DOW, D), dtype=jnp.float32) * 0.02
    W_time = jax.random.normal(ks[9], (1, D), dtype=jnp.float32) * 0.02
    b_time = jnp.zeros((D,), dtype=jnp.float32)
    W_sales = jax.random.normal(ks[10], (1, D), dtype=jnp.float32) * 0.02
    b_sales = jnp.zeros((D,), dtype=jnp.float32)
    W_price = jax.random.normal(ks[11], (1, D), dtype=jnp.float32) * 0.02
    b_price = jnp.zeros((D,), dtype=jnp.float32)
    return {
        "item_id": item_id, "user_id": user_id, "day_of_week": day_of_week,
        "time_idx": time_idx, "sales": sales, "price": price,
        "E_item": E_item, "E_user": E_user, "E_dow": E_dow,
        "W_time": W_time, "b_time": b_time,
        "W_sales": W_sales, "b_sales": b_sales,
        "W_price": W_price, "b_price": b_price,
    }


def reference(item_id, user_id, day_of_week, time_idx, sales, price,
              E_item, E_user, E_dow, W_time, b_time,
              W_sales, b_sales, W_price, b_price):
    # --- static group: categorical embeddings ---
    # static value (B,) -> unsqueeze(-1) -> (B,1) -> Embedding -> (B,1,D)
    s_item = jnp.take(E_item, item_id, axis=0)[:, None, :]  # (B,1,D)
    s_user = jnp.take(E_user, user_id, axis=0)[:, None, :]  # (B,1,D)
    s = jnp.stack([s_item, s_user], axis=-2)  # (B,1,2,D)
    s = jnp.squeeze(s, axis=1)  # (B,2,D)
    # --- time_pos group ---
    # cyclical real: (B,T) -> (B,T,1) -> Linear -> (B,T,D)
    p_time = time_idx[..., None] @ W_time + b_time  # (B,T,D)
    p_dow = jnp.take(E_dow, day_of_week, axis=0)  # (B,T,D)
    p = jnp.stack([p_time, p_dow], axis=-2)  # (B,T,2,D)
    # --- observed group: real features -> Linear(1,D) ---
    o_sales = sales[..., None] @ W_sales + b_sales  # (B,T,D)
    o_price = price[..., None] @ W_price + b_price  # (B,T,D)
    o = jnp.stack([o_sales, o_price], axis=-2)  # (B,T,2,D)
    return (s, p, o)

if __name__ == "__main__":
    import jax
    _d = setup_inputs()
    print(jax.jit(kernel)(*tuple(_d.values())))

</pallas_src>

<mosaic_0001>
#map = affine_map<(d0, d1) -> (0)>
#map1 = affine_map<(d0, d1) -> (0, 0)>
module attributes {stable_mosaic.version = 14 : i64} {
  func.func @_sc_gather_body(%arg0: i32, %arg1: i32, %arg2: memref<4096xi32, #tpu.memory_space<hbm>>, %arg3: memref<4096xi32, #tpu.memory_space<hbm>>, %arg4: memref<100000x64xf32, #tpu.memory_space<hbm>>, %arg5: memref<100000x64xf32, #tpu.memory_space<hbm>>, %arg6: memref<4096x64xf32, #tpu.memory_space<hbm>>, %arg7: memref<4096x64xf32, #tpu.memory_space<hbm>>, %arg8: memref<128xi32, #tpu.memory_space<vmem>>, %arg9: memref<128x64xf32, #tpu.memory_space<vmem>>, %arg10: memref<!tpu.dma_semaphore, #tpu.memory_space<semaphore_mem>>) attributes {dimension_semantics = [#tpu.dimension_semantics<core_parallel>, #tpu.dimension_semantics<subcore_parallel>], iteration_bounds = array<i64: 2, 16>, scalar_prefetch = 0 : i64, scratch_operands = 3 : i64, tpu.core_type = #tpu.core_type<sc_vector_subcore>, window_params = [{transform_indices = #map}, {transform_indices = #map}, {transform_indices = #map1}, {transform_indices = #map1}, {transform_indices = #map1}, {transform_indices = #map1}]} {
    %mul3A = arith.constant 2 : i32
    %mul3A_0 = arith.muli %arg1, %mul3A : i32
    %add3A = arith.addi %mul3A_0, %arg0 : i32
    %mul3A_1 = arith.constant 128 : i32
    %mul3A_2 = arith.muli %add3A, %mul3A_1 : i32
    "tpu.region"() ({
      %run_scoped3A = tpu.sem_alloc : memref<!tpu.dma_semaphore, #tpu.memory_space<semaphore_mem>>
      %dma_start3A_13 = tpu.memref_slice %arg2[%mul3A_2] : memref<4096xi32, #tpu.memory_space<hbm>> -> memref<128xi32, #tpu.memory_space<hbm>>
      %dma_start3A_14 = tpu.memref_slice %arg2[%mul3A_2] : memref<4096xi32, #tpu.memory_space<hbm>> -> memref<128xi32, #tpu.memory_space<hbm>>
      tpu.enqueue_dma source(%dma_start3A_14 : memref<128xi32, #tpu.memory_space<hbm>>) target(%arg8 : memref<128xi32, #tpu.memory_space<vmem>>) target_semaphore(%run_scoped3A : memref<!tpu.dma_semaphore, #tpu.memory_space<semaphore_mem>>)
      %dma_wait3A_15 = tpu.memref_slice %arg2[%mul3A_2] : memref<4096xi32, #tpu.memory_space<hbm>> -> memref<128xi32, #tpu.memory_space<hbm>>
      %dma_wait3A_16 = tpu.memref_slice %arg2[%mul3A_2] : memref<4096xi32, #tpu.memory_space<hbm>> -> memref<128xi32, #tpu.memory_space<hbm>>
      tpu.wait_dma2 semaphore(%run_scoped3A : memref<!tpu.dma_semaphore, #tpu.memory_space<semaphore_mem>>) src(%dma_wait3A_16 : memref<128xi32, #tpu.memory_space<hbm>>) dst(%arg8 : memref<128xi32, #tpu.memory_space<vmem>>)
      tpu.yield
    }) : () -> ()
    %dma_start3A = arith.constant 0 : i32
    %dma_start3A_3 = arith.constant 0 : i32
    %dma_start3A_4 = tpu.memref_slice %arg4[%dma_start3A, %dma_start3A_3] : memref<100000x64xf32, #tpu.memory_space<hbm>> -> memref<100000x64xf32, #tpu.memory_space<hbm>>
    tpu.enqueue_indirect_dma source(%dma_start3A_4 : memref<100000x64xf32, #tpu.memory_space<hbm>>) target(%arg9 : memref<128x64xf32, #tpu.memory_space<vmem>>) offsets(%arg8 : memref<128xi32, #tpu.memory_space<vmem>>) semaphore(%arg10 : memref<!tpu.dma_semaphore, #tpu.memory_space<semaphore_mem>>)
    %dma_wait3A = arith.constant 0 : i32
    %dma_wait3A_5 = arith.constant 0 : i32
    %dma_wait3A_6 = tpu.memref_slice %arg4[%dma_wait3A, %dma_wait3A_5] : memref<100000x64xf32, #tpu.memory_space<hbm>> -> memref<100000x64xf32, #tpu.memory_space<hbm>>
    tpu.wait_indirect_dma semaphore(%arg10 : memref<!tpu.dma_semaphore, #tpu.memory_space<semaphore_mem>>) src(%dma_wait3A_6 : memref<100000x64xf32, #tpu.memory_space<hbm>>) dst(%arg9 : memref<128x64xf32, #tpu.memory_space<vmem>>)
    "tpu.region"() ({
      %run_scoped3A = tpu.sem_alloc : memref<!tpu.dma_semaphore, #tpu.memory_space<semaphore_mem>>
      %dma_start3A_13 = arith.constant 0 : i32
      %dma_start3A_14 = tpu.memref_slice %arg6[%mul3A_2, %dma_start3A_13] : memref<4096x64xf32, #tpu.memory_space<hbm>> -> memref<128x64xf32, #tpu.memory_space<hbm>>
      %dma_start3A_15 = arith.constant 0 : i32
      %dma_start3A_16 = tpu.memref_slice %arg6[%mul3A_2, %dma_start3A_15] : memref<4096x64xf32, #tpu.memory_space<hbm>> -> memref<128x64xf32, #tpu.memory_space<hbm>>
      tpu.enqueue_dma source(%arg9 : memref<128x64xf32, #tpu.memory_space<vmem>>) target(%dma_start3A_16 : memref<128x64xf32, #tpu.memory_space<hbm>>) target_semaphore(%run_scoped3A : memref<!tpu.dma_semaphore, #tpu.memory_space<semaphore_mem>>)
      %dma_wait3A_17 = arith.constant 0 : i32
      %dma_wait3A_18 = tpu.memref_slice %arg6[%mul3A_2, %dma_wait3A_17] : memref<4096x64xf32, #tpu.memory_space<hbm>> -> memref<128x64xf32, #tpu.memory_space<hbm>>
      %dma_wait3A_19 = arith.constant 0 : i32
      %dma_wait3A_20 = tpu.memref_slice %arg6[%mul3A_2, %dma_wait3A_19] : memref<4096x64xf32, #tpu.memory_space<hbm>> -> memref<128x64xf32, #tpu.memory_space<hbm>>
      tpu.wait_dma2 semaphore(%run_scoped3A : memref<!tpu.dma_semaphore, #tpu.memory_space<semaphore_mem>>) src(%arg9 : memref<128x64xf32, #tpu.memory_space<vmem>>) dst(%dma_wait3A_20 : memref<128x64xf32, #tpu.memory_space<hbm>>)
      tpu.yield
    }) : () -> ()
    "tpu.region"() ({
      %run_scoped3A = tpu.sem_alloc : memref<!tpu.dma_semaphore, #tpu.memory_space<semaphore_mem>>
      %dma_start3A_13 = tpu.memref_slice %arg3[%mul3A_2] : memref<4096xi32, #tpu.memory_space<hbm>> -> memref<128xi32, #tpu.memory_space<hbm>>
      %dma_start3A_14 = tpu.memref_slice %arg3[%mul3A_2] : memref<4096xi32, #tpu.memory_space<hbm>> -> memref<128xi32, #tpu.memory_space<hbm>>
      tpu.enqueue_dma source(%dma_start3A_14 : memref<128xi32, #tpu.memory_space<hbm>>) target(%arg8 : memref<128xi32, #tpu.memory_space<vmem>>) target_semaphore(%run_scoped3A : memref<!tpu.dma_semaphore, #tpu.memory_space<semaphore_mem>>)
      %dma_wait3A_15 = tpu.memref_slice %arg3[%mul3A_2] : memref<4096xi32, #tpu.memory_space<hbm>> -> memref<128xi32, #tpu.memory_space<hbm>>
      %dma_wait3A_16 = tpu.memref_slice %arg3[%mul3A_2] : memref<4096xi32, #tpu.memory_space<hbm>> -> memref<128xi32, #tpu.memory_space<hbm>>
      tpu.wait_dma2 semaphore(%run_scoped3A : memref<!tpu.dma_semaphore, #tpu.memory_space<semaphore_mem>>) src(%dma_wait3A_16 : memref<128xi32, #tpu.memory_space<hbm>>) dst(%arg8 : memref<128xi32, #tpu.memory_space<vmem>>)
      tpu.yield
    }) : () -> ()
    %dma_start3A_7 = arith.constant 0 : i32
    %dma_start3A_8 = arith.constant 0 : i32
    %dma_start3A_9 = tpu.memref_slice %arg5[%dma_start3A_7, %dma_start3A_8] : memref<100000x64xf32, #tpu.memory_space<hbm>> -> memref<100000x64xf32, #tpu.memory_space<hbm>>
    tpu.enqueue_indirect_dma source(%dma_start3A_9 : memref<100000x64xf32, #tpu.memory_space<hbm>>) target(%arg9 : memref<128x64xf32, #tpu.memory_space<vmem>>) offsets(%arg8 : memref<128xi32, #tpu.memory_space<vmem>>) semaphore(%arg10 : memref<!tpu.dma_semaphore, #tpu.memory_space<semaphore_mem>>)
    %dma_wait3A_10 = arith.constant 0 : i32
    %dma_wait3A_11 = arith.constant 0 : i32
    %dma_wait3A_12 = tpu.memref_slice %arg5[%dma_wait3A_10, %dma_wait3A_11] : memref<100000x64xf32, #tpu.memory_space<hbm>> -> memref<100000x64xf32, #tpu.memory_space<hbm>>
    tpu.wait_indirect_dma semaphore(%arg10 : memref<!tpu.dma_semaphore, #tpu.memory_space<semaphore_mem>>) src(%dma_wait3A_12 : memref<100000x64xf32, #tpu.memory_space<hbm>>) dst(%arg9 : memref<128x64xf32, #tpu.memory_space<vmem>>)
    "tpu.region"() ({
      %run_scoped3A = tpu.sem_alloc : memref<!tpu.dma_semaphore, #tpu.memory_space<semaphore_mem>>
      %dma_start3A_13 = arith.constant 0 : i32
      %dma_start3A_14 = tpu.memref_slice %arg7[%mul3A_2, %dma_start3A_13] : memref<4096x64xf32, #tpu.memory_space<hbm>> -> memref<128x64xf32, #tpu.memory_space<hbm>>
      %dma_start3A_15 = arith.constant 0 : i32
      %dma_start3A_16 = tpu.memref_slice %arg7[%mul3A_2, %dma_start3A_15] : memref<4096x64xf32, #tpu.memory_space<hbm>> -> memref<128x64xf32, #tpu.memory_space<hbm>>
      tpu.enqueue_dma source(%arg9 : memref<128x64xf32, #tpu.memory_space<vmem>>) target(%dma_start3A_16 : memref<128x64xf32, #tpu.memory_space<hbm>>) target_semaphore(%run_scoped3A : memref<!tpu.dma_semaphore, #tpu.memory_space<semaphore_mem>>)
      %dma_wait3A_17 = arith.constant 0 : i32
      %dma_wait3A_18 = tpu.memref_slice %arg7[%mul3A_2, %dma_wait3A_17] : memref<4096x64xf32, #tpu.memory_space<hbm>> -> memref<128x64xf32, #tpu.memory_space<hbm>>
      %dma_wait3A_19 = arith.constant 0 : i32
      %dma_wait3A_20 = tpu.memref_slice %arg7[%mul3A_2, %dma_wait3A_19] : memref<4096x64xf32, #tpu.memory_space<hbm>> -> memref<128x64xf32, #tpu.memory_space<hbm>>
      tpu.wait_dma2 semaphore(%run_scoped3A : memref<!tpu.dma_semaphore, #tpu.memory_space<semaphore_mem>>) src(%arg9 : memref<128x64xf32, #tpu.memory_space<vmem>>) dst(%dma_wait3A_20 : memref<128x64xf32, #tpu.memory_space<hbm>>)
      tpu.yield
    }) : () -> ()
    return
  }
}

module attributes {stable_mosaic.version = 14 : i64} {
  func.func @_dense_body(%arg0: i32, %arg1: memref<50x128xi32, #tpu.memory_space<vmem>>, %arg2: memref<50x128xf32, #tpu.memory_space<vmem>>, %arg3: memref<50x128xf32, #tpu.memory_space<vmem>>, %arg4: memref<50x128xf32, #tpu.memory_space<vmem>>, %arg5: memref<7x64x1xf32, #tpu.memory_space<vmem>>, %arg6: memref<64x1xf32, #tpu.memory_space<vmem>>, %arg7: memref<64x1xf32, #tpu.memory_space<vmem>>, %arg8: memref<64x1xf32, #tpu.memory_space<vmem>>, %arg9: memref<64x1xf32, #tpu.memory_space<vmem>>, %arg10: memref<64x1xf32, #tpu.memory_space<vmem>>, %arg11: memref<64x1xf32, #tpu.memory_space<vmem>>, %arg12: memref<50x128x128xf32, #tpu.memory_space<vmem>>, %arg13: memref<50x128x128xf32, #tpu.memory_space<vmem>>) attributes {dimension_semantics = [#tpu.dimension_semantics<arbitrary>], iteration_bounds = array<i64: 32>, scalar_prefetch = 0 : i64, scratch_operands = 0 : i64, tpu.core_type = #tpu.core_type<tc>, window_params = [{transform_indices = @transform_0, window_bounds = array<i64: 50, 128>}, {transform_indices = @transform_1, window_bounds = array<i64: 50, 128>}, {transform_indices = @transform_2, window_bounds = array<i64: 50, 128>}, {transform_indices = @transform_3, window_bounds = array<i64: 50, 128>}, {pipeline_mode = #tpu.pipeline_mode<synchronous>, transform_indices = @transform_4, window_bounds = array<i64: 7, 64, 1>}, {pipeline_mode = #tpu.pipeline_mode<synchronous>, transform_indices = @transform_5, window_bounds = array<i64: 64, 1>}, {pipeline_mode = #tpu.pipeline_mode<synchronous>, transform_indices = @transform_6, window_bounds = array<i64: 64, 1>}, {pipeline_mode = #tpu.pipeline_mode<synchronous>, transform_indices = @transform_7, window_bounds = array<i64: 64, 1>}, {pipeline_mode = #tpu.pipeline_mode<synchronous>, transform_indices = @transform_8, window_bounds = array<i64: 64, 1>}, {pipeline_mode = #tpu.pipeline_mode<synchronous>, transform_indices = @transform_9, window_bounds = array<i64: 64, 1>}, {pipeline_mode = #tpu.pipeline_mode<synchronous>, transform_indices = @transform_10, window_bounds = array<i64: 64, 1>}, {transform_indices = @transform_11, window_bounds = array<i64: 50, 128, 128>}, {transform_indices = @transform_12, window_bounds = array<i64: 50, 128, 128>}]} {
    %get3A = arith.constant 0 : index
    %get3A_0 = arith.constant 0 : index
    %get3A_1 = vector.load %arg2[%get3A, %get3A_0] : memref<50x128xf32, #tpu.memory_space<vmem>>, vector<50x128xf32>
    %broadcast_in_dim3A = vector.shape_cast %get3A_1 : vector<50x128xf32> to vector<50x1x128xf32>
    %get3A_2 = arith.constant 0 : index
    %get3A_3 = arith.constant 0 : index
    %get3A_4 = vector.load %arg6[%get3A_2, %get3A_3] : memref<64x1xf32, #tpu.memory_space<vmem>>, vector<64x1xf32>
    %broadcast_in_dim3A_5 = vector.shape_cast %get3A_4 : vector<64x1xf32> to vector<1x64x1xf32>
    %mul3A = vector.broadcast %broadcast_in_dim3A : vector<50x1x128xf32> to vector<50x64x128xf32>
    %mul3A_6 = vector.broadcast %broadcast_in_dim3A_5 : vector<1x64x1xf32> to vector<50x64x128xf32>
    %mul3A_7 = arith.mulf %mul3A, %mul3A_6 : vector<50x64x128xf32>
    %get3A_8 = arith.constant 0 : index
    %get3A_9 = arith.constant 0 : index
    %get3A_10 = vector.load %arg7[%get3A_8, %get3A_9] : memref<64x1xf32, #tpu.memory_space<vmem>>, vector<64x1xf32>
    %broadcast_in_dim3A_11 = vector.shape_cast %get3A_10 : vector<64x1xf32> to vector<1x64x1xf32>
    %add3A = vector.broadcast %broadcast_in_dim3A_11 : vector<1x64x1xf32> to vector<50x64x128xf32>
    %add3A_12 = arith.addf %mul3A_7, %add3A : vector<50x64x128xf32>
    %swap3A = arith.constant 0 : index
    %swap3A_13 = arith.constant 0 : index
    %swap3A_14 = arith.constant 0 : index
    %swap3A_15 = vector.load %arg12[%swap3A, %swap3A_13, %swap3A_14] : memref<50x128x128xf32, #tpu.memory_space<vmem>>, vector<50x64x128xf32>
    tpu.vector_store %arg12[%swap3A, %swap3A_13, %swap3A_14], %add3A_12 {strides = array<i32>} : memref<50x128x128xf32, #tpu.memory_space<vmem>>, vector<50x64x128xf32>,
    %get3A_16 = arith.constant 0 : index
    %get3A_17 = arith.constant 0 : index
    %get3A_18 = vector.load %arg1[%get3A_16, %get3A_17] : memref<50x128xi32, #tpu.memory_space<vmem>>, vector<50x128xi32>
    %broadcast_in_dim3A_19 = vector.shape_cast %get3A_18 : vector<50x128xi32> to vector<50x1x128xi32>
    %broadcast_in_dim3A_20 = arith.constant 0.000000e+00 : f32
    %broadcast_in_dim3A_21 = vector.broadcast %broadcast_in_dim3A_20 : f32 to vector<50x64x128xf32>
    %eq3A = arith.constant 0 : i32
    %eq3A_22 = vector.broadcast %eq3A : i32 to vector<50x1x128xi32>
    %eq3A_23 = arith.cmpi eq, %broadcast_in_dim3A_19, %eq3A_22 : vector<50x1x128xi32>
    %get3A_24 = arith.constant 0 : index
    %get3A_25 = arith.constant 0 : index
    %get3A_26 = arith.constant 0 : index
    %get3A_27 = vector.load %arg5[%get3A_24, %get3A_25, %get3A_26] : memref<7x64x1xf32, #tpu.memory_space<vmem>>, vector<1x64x1xf32>
    %get3A_28 = vector.shape_cast %get3A_27 : vector<1x64x1xf32> to vector<64x1xf32>
    %broadcast_in_dim3A_29 = vector.shape_cast %eq3A_23 : vector<50x1x128xi1> to vector<50x1x128xi1>
    %broadcast_in_dim3A_30 = vector.broadcast %broadcast_in_dim3A_29 : vector<50x1x128xi1> to vector<50x64x128xi1>
    %broadcast_in_dim3A_31 = vector.shape_cast %get3A_28 : vector<64x1xf32> to vector<1x64x1xf32>
    %broadcast_in_dim3A_32 = vector.broadcast %broadcast_in_dim3A_31 : vector<1x64x1xf32> to vector<50x64x128xf32>
    %select_n3A = arith.select %broadcast_in_dim3A_30, %broadcast_in_dim3A_32, %broadcast_in_dim3A_21 : vector<50x64x128xi1>, vector<50x64x128xf32>
    %eq3A_33 = arith.constant 1 : i32
    %eq3A_34 = vector.broadcast %eq3A_33 : i32 to vector<50x1x128xi32>
    %eq3A_35 = arith.cmpi eq, %broadcast_in_dim3A_19, %eq3A_34 : vector<50x1x128xi32>
    %get3A_36 = arith.constant 1 : index
    %get3A_37 = arith.constant 0 : index
    %get3A_38 = arith.constant 0 : index
    %get3A_39 = vector.load %arg5[%get3A_36, %get3A_37, %get3A_38] : memref<7x64x1xf32, #tpu.memory_space<vmem>>, vector<1x64x1xf32>
    %get3A_40 = vector.shape_cast %get3A_39 : vector<1x64x1xf32> to vector<64x1xf32>
    %broadcast_in_dim3A_41 = vector.shape_cast %eq3A_35 : vector<50x1x128xi1> to vector<50x1x128xi1>
    %broadcast_in_dim3A_42 = vector.broadcast %broadcast_in_dim3A_41 : vector<50x1x128xi1> to vector<50x64x128xi1>
    %broadcast_in_dim3A_43 = vector.shape_cast %get3A_40 : vector<64x1xf32> to vector<1x64x1xf32>
    %broadcast_in_dim3A_44 = vector.broadcast %broadcast_in_dim3A_43 : vector<1x64x1xf32> to vector<50x64x128xf32>
    %select_n3A_45 = arith.select %broadcast_in_dim3A_42, %broadcast_in_dim3A_44, %select_n3A : vector<50x64x128xi1>, vector<50x64x128xf32>
    %eq3A_46 = arith.constant 2 : i32
    %eq3A_47 = vector.broadcast %eq3A_46 : i32 to vector<50x1x128xi32>
    %eq3A_48 = arith.cmpi eq, %broadcast_in_dim3A_19, %eq3A_47 : vector<50x1x128xi32>
    %get3A_49 = arith.constant 2 : index
    %get3A_50 = arith.constant 0 : index
    %get3A_51 = arith.constant 0 : index
    %get3A_52 = vector.load %arg5[%get3A_49, %get3A_50, %get3A_51] : memref<7x64x1xf32, #tpu.memory_space<vmem>>, vector<1x64x1xf32>
    %get3A_53 = vector.shape_cast %get3A_52 : vector<1x64x1xf32> to vector<64x1xf32>
    %broadcast_in_dim3A_54 = vector.shape_cast %eq3A_48 : vector<50x1x128xi1> to vector<50x1x128xi1>
    %broadcast_in_dim3A_55 = vector.broadcast %broadcast_in_dim3A_54 : vector<50x1x128xi1> to vector<50x64x128xi1>
    %broadcast_in_dim3A_56 = vector.shape_cast %get3A_53 : vector<64x1xf32> to vector<1x64x1xf32>
    %broadcast_in_dim3A_57 = vector.broadcast %broadcast_in_dim3A_56 : vector<1x64x1xf32> to vector<50x64x128xf32>
    %select_n3A_58 = arith.select %broadcast_in_dim3A_55, %broadcast_in_dim3A_57, %select_n3A_45 : vector<50x64x128xi1>, vector<50x64x128xf32>
    %eq3A_59 = arith.constant 3 : i32
    %eq3A_60 = vector.broadcast %eq3A_59 : i32 to vector<50x1x128xi32>
    %eq3A_61 = arith.cmpi eq, %broadcast_in_dim3A_19, %eq3A_60 : vector<50x1x128xi32>
    %get3A_62 = arith.constant 3 : index
    %get3A_63 = arith.constant 0 : index
    %get3A_64 = arith.constant 0 : index
    %get3A_65 = vector.load %arg5[%get3A_62, %get3A_63, %get3A_64] : memref<7x64x1xf32, #tpu.memory_space<vmem>>, vector<1x64x1xf32>
    %get3A_66 = vector.shape_cast %get3A_65 : vector<1x64x1xf32> to vector<64x1xf32>
    %broadcast_in_dim3A_67 = vector.shape_cast %eq3A_61 : vector<50x1x128xi1> to vector<50x1x128xi1>
    %broadcast_in_dim3A_68 = vector.broadcast %broadcast_in_dim3A_67 : vector<50x1x128xi1> to vector<50x64x128xi1>
    %broadcast_in_dim3A_69 = vector.shape_cast %get3A_66 : vector<64x1xf32> to vector<1x64x1xf32>
    %broadcast_in_dim3A_70 = vector.broadcast %broadcast_in_dim3A_69 : vector<1x64x1xf32> to vector<50x64x128xf32>
    %select_n3A_71 = arith.select %broadcast_in_dim3A_68, %broadcast_in_dim3A_70, %select_n3A_58 : vector<50x64x128xi1>, vector<50x64x128xf32>
    %eq3A_72 = arith.constant 4 : i32
    %eq3A_73 = vector.broadcast %eq3A_72 : i32 to vector<50x1x128xi32>
    %eq3A_74 = arith.cmpi eq, %broadcast_in_dim3A_19, %eq3A_73 : vector<50x1x128xi32>
    %get3A_75 = arith.constant 4 : index
    %get3A_76 = arith.constant 0 : index
    %get3A_77 = arith.constant 0 : index
    %get3A_78 = vector.load %arg5[%get3A_75, %get3A_76, %get3A_77] : memref<7x64x1xf32, #tpu.memory_space<vmem>>, vector<1x64x1xf32>
    %get3A_79 = vector.shape_cast %get3A_78 : vector<1x64x1xf32> to vector<64x1xf32>
    %broadcast_in_dim3A_80 = vector.shape_cast %eq3A_74 : vector<50x1x128xi1> to vector<50x1x128xi1>
    %broadcast_in_dim3A_81 = vector.broadcast %broadcast_in_dim3A_80 : vector<50x1x128xi1> to vector<50x64x128xi1>
    %broadcast_in_dim3A_82 = vector.shape_cast %get3A_79 : vector<64x1xf32> to vector<1x64x1xf32>
    %broadcast_in_dim3A_83 = vector.broadcast %broadcast_in_dim3A_82 : vector<1x64x1xf32> to vector<50x64x128xf32>
    %select_n3A_84 = arith.select %broadcast_in_dim3A_81, %broadcast_in_dim3A_83, %select_n3A_71 : vector<50x64x128xi1>, vector<50x64x128xf32>
    %eq3A_85 = arith.constant 5 : i32
    %eq3A_86 = vector.broadcast %eq3A_85 : i32 to vector<50x1x128xi32>
    %eq3A_87 = arith.cmpi eq, %broadcast_in_dim3A_19, %eq3A_86 : vector<50x1x128xi32>
    %get3A_88 = arith.constant 5 : index
    %get3A_89 = arith.constant 0 : index
    %get3A_90 = arith.constant 0 : index
    %get3A_91 = vector.load %arg5[%get3A_88, %get3A_89, %get3A_90] : memref<7x64x1xf32, #tpu.memory_space<vmem>>, vector<1x64x1xf32>
    %get3A_92 = vector.shape_cast %get3A_91 : vector<1x64x1xf32> to vector<64x1xf32>
    %broadcast_in_dim3A_93 = vector.shape_cast %eq3A_87 : vector<50x1x128xi1> to vector<50x1x128xi1>
    %broadcast_in_dim3A_94 = vector.broadcast %broadcast_in_dim3A_93 : vector<50x1x128xi1> to vector<50x64x128xi1>
    %broadcast_in_dim3A_95 = vector.shape_cast %get3A_92 : vector<64x1xf32> to vector<1x64x1xf32>
    %broadcast_in_dim3A_96 = vector.broadcast %broadcast_in_dim3A_95 : vector<1x64x1xf32> to vector<50x64x128xf32>
    %select_n3A_97 = arith.select %broadcast_in_dim3A_94, %broadcast_in_dim3A_96, %select_n3A_84 : vector<50x64x128xi1>, vector<50x64x128xf32>
    %eq3A_98 = arith.constant 6 : i32
    %eq3A_99 = vector.broadcast %eq3A_98 : i32 to vector<50x1x128xi32>
    %eq3A_100 = arith.cmpi eq, %broadcast_in_dim3A_19, %eq3A_99 : vector<50x1x128xi32>
    %get3A_101 = arith.constant 6 : index
    %get3A_102 = arith.constant 0 : index
    %get3A_103 = arith.constant 0 : index
    %get3A_104 = vector.load %arg5[%get3A_101, %get3A_102, %get3A_103] : memref<7x64x1xf32, #tpu.memory_space<vmem>>, vector<1x64x1xf32>
    %get3A_105 = vector.shape_cast %get3A_104 : vector<1x64x1xf32> to vector<64x1xf32>
    %broadcast_in_dim3A_106 = vector.shape_cast %eq3A_100 : vector<50x1x128xi1> to vector<50x1x128xi1>
    %broadcast_in_dim3A_107 = vector.broadcast %broadcast_in_dim3A_106 : vector<50x1x128xi1> to vector<50x64x128xi1>
    %broadcast_in_dim3A_108 = vector.shape_cast %get3A_105 : vector<64x1xf32> to vector<1x64x1xf32>
    %broadcast_in_dim3A_109 = vector.broadcast %broadcast_in_dim3A_108 : vector<1x64x1xf32> to vector<50x64x128xf32>
    %select_n3A_110 = arith.select %broadcast_in_dim3A_107, %broadcast_in_dim3A_109, %select_n3A_97 : vector<50x64x128xi1>, vector<50x64x128xf32>
    %swap3A_111 = arith.constant 0 : index
    %swap3A_112 = arith.constant 64 : index
    %swap3A_113 = arith.constant 0 : index
    %swap3A_114 = vector.load %arg12[%swap3A_111, %swap3A_112, %swap3A_113] : memref<50x128x128xf32, #tpu.memory_space<vmem>>, vector<50x64x128xf32>
    tpu.vector_store %arg12[%swap3A_111, %swap3A_112, %swap3A_113], %select_n3A_110 {strides = array<i32>} : memref<50x128x128xf32, #tpu.memory_space<vmem>>, vector<50x64x128xf32>,
    %get3A_115 = arith.constant 0 : index
    %get3A_116 = arith.constant 0 : index
    %get3A_117 = vector.load %arg3[%get3A_115, %get3A_116] : memref<50x128xf32, #tpu.memory_space<vmem>>, vector<50x128xf32>
    %broadcast_in_dim3A_118 = vector.shape_cast %get3A_117 : vector<50x128xf32> to vector<50x1x128xf32>
    %get3A_119 = arith.constant 0 : index
    %get3A_120 = arith.constant 0 : index
    %get3A_121 = vector.load %arg8[%get3A_119, %get3A_120] : memref<64x1xf32, #tpu.memory_space<vmem>>, vector<64x1xf32>
    %broadcast_in_dim3A_122 = vector.shape_cast %get3A_121 : vector<64x1xf32> to vector<1x64x1xf32>
    %mul3A_123 = vector.broadcast %broadcast_in_dim3A_118 : vector<50x1x128xf32> to vector<50x64x128xf32>
    %mul3A_124 = vector.broadcast %broadcast_in_dim3A_122 : vector<1x64x1xf32> to vector<50x64x128xf32>
    %mul3A_125 = arith.mulf %mul3A_123, %mul3A_124 : vector<50x64x128xf32>
    %get3A_126 = arith.constant 0 : index
    %get3A_127 = arith.constant 0 : index
    %get3A_128 = vector.load %arg9[%get3A_126, %get3A_127] : memref<64x1xf32, #tpu.memory_space<vmem>>, vector<64x1xf32>
    %broadcast_in_dim3A_129 = vector.shape_cast %get3A_128 : vector<64x1xf32> to vector<1x64x1xf32>
    %add3A_130 = vector.broadcast %broadcast_in_dim3A_129 : vector<1x64x1xf32> to vector<50x64x128xf32>
    %add3A_131 = arith.addf %mul3A_125, %add3A_130 : vector<50x64x128xf32>
    %swap3A_132 = arith.constant 0 : index
    %swap3A_133 = arith.constant 0 : index
    %swap3A_134 = arith.constant 0 : index
    %swap3A_135 = vector.load %arg13[%swap3A_132, %swap3A_133, %swap3A_134] : memref<50x128x128xf32, #tpu.memory_space<vmem>>, vector<50x64x128xf32>
    tpu.vector_store %arg13[%swap3A_132, %swap3A_133, %swap3A_134], %add3A_131 {strides = array<i32>} : memref<50x128x128xf32, #tpu.memory_space<vmem>>, vector<50x64x128xf32>,
    %get3A_136 = arith.constant 0 : index
    %get3A_137 = arith.constant 0 : index
    %get3A_138 = vector.load %arg4[%get3A_136, %get3A_137] : memref<50x128xf32, #tpu.memory_space<vmem>>, vector<50x128xf32>
    %broadcast_in_dim3A_139 = vector.shape_cast %get3A_138 : vector<50x128xf32> to vector<50x1x128xf32>
    %get3A_140 = arith.constant 0 : index
    %get3A_141 = arith.constant 0 : index
    %get3A_142 = vector.load %arg10[%get3A_140, %get3A_141] : memref<64x1xf32, #tpu.memory_space<vmem>>, vector<64x1xf32>
    %broadcast_in_dim3A_143 = vector.shape_cast %get3A_142 : vector<64x1xf32> to vector<1x64x1xf32>
    %mul3A_144 = vector.broadcast %broadcast_in_dim3A_139 : vector<50x1x128xf32> to vector<50x64x128xf32>
    %mul3A_145 = vector.broadcast %broadcast_in_dim3A_143 : vector<1x64x1xf32> to vector<50x64x128xf32>
    %mul3A_146 = arith.mulf %mul3A_144, %mul3A_145 : vector<50x64x128xf32>
    %get3A_147 = arith.constant 0 : index
    %get3A_148 = arith.constant 0 : index
    %get3A_149 = vector.load %arg11[%get3A_147, %get3A_148] : memref<64x1xf32, #tpu.memory_space<vmem>>, vector<64x1xf32>
    %broadcast_in_dim3A_150 = vector.shape_cast %get3A_149 : vector<64x1xf32> to vector<1x64x1xf32>
    %add3A_151 = vector.broadcast %broadcast_in_dim3A_150 : vector<1x64x1xf32> to vector<50x64x128xf32>
    %add3A_152 = arith.addf %mul3A_146, %add3A_151 : vector<50x64x128xf32>
    %swap3A_153 = arith.constant 0 : index
    %swap3A_154 = arith.constant 64 : index
    %swap3A_155 = arith.constant 0 : index
    %swap3A_156 = vector.load %arg13[%swap3A_153, %swap3A_154, %swap3A_155] : memref<50x128x128xf32, #tpu.memory_space<vmem>>, vector<50x64x128xf32>
    tpu.vector_store %arg13[%swap3A_153, %swap3A_154, %swap3A_155], %add3A_152 {strides = array<i32>} : memref<50x128x128xf32, #tpu.memory_space<vmem>>, vector<50x64x128xf32>,
    return
  }
  func.func @transform_0(%arg0: i32) -> (i32, i32) {
    %c0_i32 = arith.constant 0 : i32
    %c0_i32_0 = arith.constant 0 : i32
    return %c0_i32, %arg0 : i32, i32
  }
  func.func @transform_1(%arg0: i32) -> (i32, i32) {
    %c0_i32 = arith.constant 0 : i32
    %c0_i32_0 = arith.constant 0 : i32
    return %c0_i32, %arg0 : i32, i32
  }
  func.func @transform_2(%arg0: i32) -> (i32, i32) {
    %c0_i32 = arith.constant 0 : i32
    %c0_i32_0 = arith.constant 0 : i32
    return %c0_i32, %arg0 : i32, i32
  }
  func.func @transform_3(%arg0: i32) -> (i32, i32) {
    %c0_i32 = arith.constant 0 : i32
    %c0_i32_0 = arith.constant 0 : i32
    return %c0_i32, %arg0 : i32, i32
  }
  func.func @transform_4(%arg0: i32) -> (i32, i32, i32) {
    %c0_i32 = arith.constant 0 : i32
    %c0_i32_0 = arith.constant 0 : i32
    %c0_i32_1 = arith.constant 0 : i32
    %c0_i32_2 = arith.constant 0 : i32
    return %c0_i32, %c0_i32_0, %c0_i32_1 : i32, i32, i32
  }
  func.func @transform_5(%arg0: i32) -> (i32, i32) {
    %c0_i32 = arith.constant 0 : i32
    %c0_i32_0 = arith.constant 0 : i32
    %c0_i32_1 = arith.constant 0 : i32
    return %c0_i32, %c0_i32_0 : i32, i32
  }
  func.func @transform_6(%arg0: i32) -> (i32, i32) {
    %c0_i32 = arith.constant 0 : i32
    %c0_i32_0 = arith.constant 0 : i32
    %c0_i32_1 = arith.constant 0 : i32
    return %c0_i32, %c0_i32_0 : i32, i32
  }
  func.func @transform_7(%arg0: i32) -> (i32, i32) {
    %c0_i32 = arith.constant 0 : i32
    %c0_i32_0 = arith.constant 0 : i32
    %c0_i32_1 = arith.constant 0 : i32
    return %c0_i32, %c0_i32_0 : i32, i32
  }
  func.func @transform_8(%arg0: i32) -> (i32, i32) {
    %c0_i32 = arith.constant 0 : i32
    %c0_i32_0 = arith.constant 0 : i32
    %c0_i32_1 = arith.constant 0 : i32
    return %c0_i32, %c0_i32_0 : i32, i32
  }
  func.func @transform_9(%arg0: i32) -> (i32, i32) {
    %c0_i32 = arith.constant 0 : i32
    %c0_i32_0 = arith.constant 0 : i32
    %c0_i32_1 = arith.constant 0 : i32
    return %c0_i32, %c0_i32_0 : i32, i32
  }
  func.func @transform_10(%arg0: i32) -> (i32, i32) {
    %c0_i32 = arith.constant 0 : i32
    %c0_i32_0 = arith.constant 0 : i32
    %c0_i32_1 = arith.constant 0 : i32
    return %c0_i32, %c0_i32_0 : i32, i32
  }
  func.func @transform_11(%arg0: i32) -> (i32, i32, i32) {
    %c0_i32 = arith.constant 0 : i32
    %c0_i32_0 = arith.constant 0 : i32
    %c0_i32_1 = arith.constant 0 : i32
    return %c0_i32, %c0_i32_0, %arg0 : i32, i32, i32
  }
  func.func @transform_12(%arg0: i32) -> (i32, i32, i32) {
    %c0_i32 = arith.constant 0 : i32
    %c0_i32_0 = arith.constant 0 : i32
    %c0_i32_1 = arith.constant 0 : i32
    return %c0_i32, %c0_i32_0, %arg0 : i32, i32, i32
  }
}

</mosaic_0001>

<sc_bundles>
// kernel: kernel.4.cloned.1.call-start
scs
__scs_entry_jumppad:
0x0: {  	(pc) =	sbr.rel $0x88, $3  }
0x1: {  	(tag) =	ssettag $0x0;
	lr =	simm.s32 $0x1  }
0x2: {  	[smem:$0x3F92] =	sst lr;
	_ =	strace $0xD0000000  }
0x3: {  	_ = 	snop  }
0x4: {  	_ = 	snop  }
0x5: {  	_ = 	snop  }
0x6: {  	_ = 	snop  }
0x7: {  	_ = 	snop  }
__scs_overlays_trampoline_lowered:
0x8: {  	[smem:$0x3FA1] =	sst s0  }
0x9: {  	[smem:$0x3FA2] =	sst s1  }
0xa: {  	[smem:$0x3FA3] =	sst s2  }
0xb: {  	[smem:$0x3FA4] =	sst s3  }
0xc: {  	[smem:$0x3FA5] =	sst s4  }
0xd: {  	[smem:$0x3FA6] =	sst s5  }
0xe: {  	[smem:$0x3FA7] =	sst s6  }
0xf: {  	[smem:$0x3FA8] =	sst s7  }
0x10: {  	[smem:$0x3FA9] =	sst s8  }
0x11: {  	[smem:$0x3FAA] =	sst s9;
	s0 =	simm.s32 @!p0 $0x0  }
0x12: {  	s1 =	sld [smem:$0x3F90];
	s0 =	simm.s32 @p0 $0x1  }
0x13: {  	[smem:$0x3FAB] =	sst s0;
	s0 =	simm.s32 @!p1 $0x0  }
0x14: {  	s2 =	sld [smem:$0x3F8F];
	s0 =	simm.s32 @p1 $0x1  }
0x15: {  	[smem:$0x3FAC] =	sst s0;
	s0 =	simm.s32 @!p2 $0x0  }
0x16: {  	s3 =	sld [smem:$0x3FDB];
	s0 =	simm.s32 @p2 $0x1  }
0x17: {  	s4 =	simm.s32 $0x1BF5;
	[smem:$0x3FAE] =	sst s0  }
0x18: {  	s0 =	sld [smem:$0x3F91];
	_ =	swait.ge [sflag:s4], $0x0  }
0x19: {  	s7 =	sld [smem:$0x3F92]  }
0x1a: {  	s8 =	sadd.s32 $0xFFFFE003, lr  }
0x1b: {  	s9 =	sadd.s32 $0xFFFFFEF7, lr;
	s5 =	simm.s32 $0xFFFFFFFF;
	p2 =	slt.u32 s8, $0xFFFFF086  }
0x1c: {  	p1 =	slt.u32 s9, $0xF7A;
	s5 =	simm.s32 @!p2 $0x0  }
0x1d: {  	s5 =	simm.s32 @p1 $0x1;
	p0 =	seq.s32 s7, s2  }
0x1e: {  	s7 =	smul.u32 @!p0 $0xF7A, s2;
	p2 =	seq.s32 @!p0 s5, $0x0  }
0x1f: {  	s9 =	smul.u32 $0xF7A, s1;
	s8 =	simm.s32 @!p0 $0x1BF5;
	p2 =	por !p2, p0  }
0x20: {  	[sflag:s8] =	ssyncset.s32 @!p0 $0xFFFFF086;
	s6 =	sadd.s32 @!p0 s3, s7;
	s7 =	simm.s32 @!p0 $0x108  }
0x21: {  	s3 =	sadd.s32 s3, s9;
	s6 =	sadd.s32 @!p0 $0x88, s6;
	s7 =	simm.s32 @p2 $0x1082  }
0x22: {  	[simem:s7], [sflag:s8] =	dma.local @!p0 [hbm:s6], $0xF7A  }
0x23: {  	s9 =	sor.u32 $0xD0000000, s2;
	s6 =	simm.s32 $0x108;
	_ =	swait.ge @!p0 [sflag:s8], $0x0  }
0x24: {  	s3 =	sadd.s32 $0x88, s3;
	s6 =	simm.s32 @!p1 $0x1082;
	[sflag:s4] =	ssyncset.s32 $0xFFFFF086  }
0x25: {  	[simem:s6], [sflag:s4] =	dma.local [hbm:s3], $0xF7A  }
0x26: {  	[smem:$0x3F92] =	sst s1;
	(tag) =	ssettag s2;
	_ =	strace s9  }
0x27: {  	s1 =	sld [smem:$0x3FA2]  }
0x28: {  	s2 =	sld [smem:$0x3FA3]  }
0x29: {  	s4 =	sld [smem:$0x3FA5]  }
0x2a: {  	p0 =	seq.s32 s5, $0x0;
	s5 =	sld [smem:$0x3FA6]  }
0x2b: {  	s6 =	sld [smem:$0x3FA7]  }
0x2c: {  	s7 =	sld [smem:$0x3FA8]  }
0x2d: {  	s3 =	simm.s32 $0x108;
	s8 =	sld [smem:$0x3FA9]  }
0x2e: {  	s3 =	simm.s32 @!p0 $0x1082;
	s9 =	sld [smem:$0x3FAA]  }
0x2f: {  	lr =	sadd.s32 s0, s3;
	s0 =	sld [smem:$0x3FA1]  }
0x30: {  	s3 =	sld [smem:$0x3FA4]  }
0x31: {  	[smem:$0x3FAD] =	sst s10  }
0x32: {  	s10 =	sld [smem:$0x3FAB];
	_ =	sdelay $0x3  }
0x33: {  	p0 =	seq.s32 s10, $0x1;
	s10 =	sld [smem:$0x3FAD];
	_ =	sdelay $0x3  }
0x34: {  	[smem:$0x3FAD] =	sst s10  }
0x35: {  	s10 =	sld [smem:$0x3FAC];
	_ =	sdelay $0x3  }
0x36: {  	p1 =	seq.s32 s10, $0x1;
	s10 =	sld [smem:$0x3FAD];
	_ =	sdelay $0x3  }
0x37: {  	[smem:$0x3FAD] =	sst s10  }
0x38: {  	s10 =	sld [smem:$0x3FAE]  }
0x39: {  	_ = 	snop;
	(pc) =	sbr.ind lr, $3  }
0x3a: {  	_ = 	snop  }
0x3b: {  	_ = 	snop  }
0x3c: {  	p2 =	seq.s32 s10, $0x1;
	s10 =	sld [smem:$0x3FAD]  }
0x3d: {  	_ =	shalt  }
0x3e: {  	_ =	shalt  }
0x3f: {  	_ =	shalt  }
0x40: {  	_ =	shalt  }
0x41: {  	_ =	shalt  }
0x42: {  	_ =	shalt  }
0x43: {  	_ =	shalt  }
0x44: {  	_ =	shalt  }
0x45: {  	_ =	shalt  }
0x46: {  	_ =	shalt  }
0x47: {  	_ =	shalt  }
0x48: {  	_ =	shalt  }
0x49: {  	_ =	shalt  }
0x4a: {  	_ =	shalt  }
0x4b: {  	_ =	shalt  }
0x4c: {  	_ =	shalt  }
0x4d: {  	_ =	shalt  }
0x4e: {  	_ =	shalt  }
0x4f: {  	_ =	shalt  }
0x50: {  	_ =	shalt  }
0x51: {  	_ =	shalt  }
0x52: {  	_ =	shalt  }
0x53: {  	_ =	shalt  }
0x54: {  	_ =	shalt  }
0x55: {  	_ =	shalt  }
0x56: {  	_ =	shalt  }
0x57: {  	_ =	shalt  }
0x58: {  	_ =	shalt  }
0x59: {  	_ =	shalt  }
0x5a: {  	_ =	shalt  }
0x5b: {  	_ =	shalt  }
0x5c: {  	_ =	shalt  }
0x5d: {  	_ =	shalt  }
0x5e: {  	_ =	shalt  }
0x5f: {  	_ =	shalt  }
0x60: {  	_ =	shalt  }
0x61: {  	_ =	shalt  }
0x62: {  	_ =	shalt  }
0x63: {  	_ =	shalt  }
0x64: {  	_ =	shalt  }
0x65: {  	_ =	shalt  }
0x66: {  	_ =	shalt  }
0x67: {  	_ =	shalt  }
0x68: {  	_ =	shalt  }
0x69: {  	_ =	shalt  }
0x6a: {  	_ =	shalt  }
0x6b: {  	_ =	shalt  }
0x6c: {  	_ =	shalt  }
0x6d: {  	_ =	shalt  }
0x6e: {  	_ =	shalt  }
0x6f: {  	_ =	shalt  }
0x70: {  	_ =	shalt  }
0x71: {  	_ =	shalt  }
0x72: {  	_ =	shalt  }
0x73: {  	_ =	shalt  }
0x74: {  	_ =	shalt  }
0x75: {  	_ =	shalt  }
0x76: {  	_ =	shalt  }
0x77: {  	_ =	shalt  }
0x78: {  	_ =	shalt  }
0x79: {  	_ =	shalt  }
0x7a: {  	_ =	shalt  }
0x7b: {  	_ =	shalt  }
0x7c: {  	_ =	shalt  }
0x7d: {  	_ =	shalt  }
0x7e: {  	_ =	shalt  }
0x7f: {  	_ =	shalt  }
0x80: {  	_ =	shalt  }
0x81: {  	_ =	shalt  }
0x82: {  	_ =	shalt  }
0x83: {  	_ =	shalt  }
0x84: {  	_ =	shalt  }
0x85: {  	_ =	shalt  }
0x86: {  	_ =	shalt  }
0x87: {  	_ =	shalt  }
.Lfunc_end0:
.L_simem_size_0:
called_computation_lowered:
.L_overlay_start_0:
0x88: {  	s2 =	sld [smem:$0x3FD9]  }
0x89: {  	s3 =	sld [smem:$0x3FFE];
	_ =	sdelay $0x1  }
0x8a: {  	s1 =	srdreg.scid  }
0x8b: {  	s0 =	sand.u32 $0x1, s1  }
0x8c: {  	s14 =	sshll.u32 s0, $0xA;
	s2 =	sadd.s32 s3, s2  }
0x8d: {  	s2 =	sadd.s32 s2, s14  }
0x8e: {  	[smem:$0x3FB9] =	sst s2  }
0x8f: {  	_ = 	snop  }
0x90: {  	s2 =	sld [smem:$0x3FD0];
	_ =	sdelay $0x1  }
0x91: {  	s15 =	sld [smem:$0x3FC9]  }
0x92: {  	s5 =	simm.s32 $0xA;
	s6 =	simm.s32 $0x10;
	s4 =	sld [smem:$0x3FC8]  }
0x93: {  	[smem:s6], [sflag:s5] =	dma.local [hbm:s2], $0x1  }
0x94: {  	_ =	swait.eq [sflag:s5], $0x1  }
0x95: {  	[sflag:s5] =	ssyncset.done $0x0  }
0x96: {  	[sflag:s5] =	ssyncadd.s32 $0xFFFFFFFF  }
0x97: {  	s16 =	sld [smem:$0x10];
	(tm) =	ssettm $0x1  }
0x98: {  	s17 =	sld [smem:$0x3FFB];
	_ =	sdelay $0x3  }
0x99: {  	_ =	strace s17  }
0x9a: {  	s5 =	sld [smem:$0x3FFC];
	_ =	sdelay $0x3  }
0x9b: {  	_ =	strace s5  }
0x9c: {  	s5 =	sld [smem:$0x3FFD];
	_ =	sdelay $0x3  }
0x9d: {  	_ =	strace s5  }
0x9e: {  	_ =	strace $0x8FFFFFFF  }
0x9f: {  	s18 =	sld [smem:$0x3FDB];
	_ =	sdelay $0x1  }
0xa0: {  	s19 =	simm.s32 $_scs_section_size  }
0xa1: {  	s7 =	simm.s32 $_size__tile_overlayer_lowered;
	s8 =	simm.s32 $_tile_overlayer_lowered  }
0xa2: {  	s22 =	simm.s32 $0x1BFF;
	s21 =	sshll.u32 s8, $0x1;
	s5 =	sadd.s32 s19, s18  }
0xa3: {  	s9 =	simm.s32 $0x0;
	s20 =	sshll.u32 s7, $0x1;
	s7 =	sadd.s32 s21, s5  }
0xa4: {  	[timem:s9], [sflag:s22] =	dma.local [hbm:s7], s20  }
0xa5: {  	_ =	swait.ge [sflag:s22], s20  }
0xa6: {  	s6 =	ssub.s32 $0x0, s20;
	[sflag:s22] =	ssyncset.done $0x0  }
0xa7: {  	[sflag:s22] =	ssyncadd.s32 s6;
	_ =	sdelay $0x1  }
0xa8: {  	s23 =	simm.s32 $0x1B8B  }
0xa9: {  	_ =	swait.ge [sflag:s23], $0x1  }
0xaa: {  	[sflag:s23] =	ssyncset.done $0x0  }
0xab: {  	s25 =	simm.s32 $0x1B8E;
	s24 =	sld [smem:$0x3FFE];
	[sflag:s23] =	ssyncadd.s32 $0xFFFFFFFF  }
0xac: {  	s26 =	simm.s32 $execute0_lowered;
	[smem:$0x3FD2] =	sst s25  }
0xad: {  	s7 =	sshll.u32 s26, $0x1;
	_ =	strace $0x80000046;
	[dreg:$0x1] =	wrdreg $0xFFFFFFFF  }
0xae: {  	s28 =	simm.s32 $_size_execute0_lowered;
	s5 =	sadd.s32 s5, s7;
	[dreg:$0x0] =	wrdreg $0x0  }
0xaf: {  	s7 =	sshll.u32 s28, $0x1;
	[dreg:$0x2] =	wrdreg s5  }
0xb0: {  	[dreg:$0x3] =	wrdreg s7  }
0xb1: {  	[dreg:$0x4] =	wrdreg $0xC0  }
0xb2: {  	_ =	task [dreg:s9], $0x5FFFF  }
0xb3: {  	[dreg:$0x1] =	wrdreg $0xFFFFFFFF  }
0xb4: {  	[dreg:$0x0] =	wrdreg $0x60  }
0xb5: {  	[dreg:$0x2] =	wrdreg s15  }
0xb6: {  	[dreg:$0x3] =	wrdreg s4  }
0xb7: {  	[dreg:$0x4] =	wrdreg s24  }
0xb8: {  	[dreg:$0x5] =	wrdreg s16  }
0xb9: {  	[dreg:$0x6] =	wrdreg $0x9  }
0xba: {  	_ =	task.clear_ibuf [dreg:s9], $0x7FFFF;
	_ =	strace $0x90000046  }
0xbb: {  	s29 =	simm.s32 $0x9;
	_ =	strace $0x80000048  }
0xbc: {  	_ =	swait.ge [sflag:s29], $0x1  }
0xbd: {  	[sflag:s29] =	ssyncadd.s32 $0xFFFFFFFF  }
0xbe: {  	_ =	strace $0x90000048  }
0xbf: {  	_ =	sfence  }
0xc0: {  	s30 =	sld [smem:$0x0];
	_ =	sdelay $0x2  }
0xc1: {  	s31 =	sshll.u32 s1, $0xD;
	s1 =	sshrl.u32 s1, $0x2  }
0xc2: {  	s3 =	sand.u32 $0x4000, s31;
	s1 =	sadd.s32 s1, s30  }
0xc3: {  	s0 =	sor.u32 s3, s0;
	s1 =	sshll.u32 s1, $0x11  }
0xc4: {  	s0 =	sor.u32 s1, s0  }
0xc5: {  	s0 =	sadd.s32 $0x8F2B, s0  }
0xc6: {  	[sflag:s0] =	ssyncadd.remote.s32 $0x1  }
0xc7: {  	_ =	sfence.sel $0xFFFF  }
0xc8: {  	[dreg:$0x0] =	wrdreg $0xFFFFFFFF;
	(pc) =	sbr.abs _section_cstart, $3  }
0xc9: {  	[dreg:$0x1] =	wrdreg $0xFFFFFFFF  }
0xca: {  	_ =	task.clear_ibuf [dreg:s9], $0x2FFFF;
	_ =	strace $0x9FFFFFFF  }
0xcb: {  	(tm) =	ssettm $0x7FFFFFFF  }
tec
execute0_lowered:
.L_overlay_start_1:
0x0: {  	(tag) =	ssettag $0x1  }
0x1: {  	s3 =	rddreg [dreg:$0x0]  }
0x2: {  	s9 =	rddreg [dreg:$0x1];
	s1 =	srdreg.scid  }
0x3: {  	s11 =	rddreg [dreg:$0x2];
	s0 =	stileid.u32;
	s12 =	sand.u32 $0x1, s1  }
0x4: {  	s8 =	rddreg [dreg:$0x3];
	s4 =	sshll.u32 s0, $0x8;
	s5 =	sshll.u32 s12, $0x7  }
0x5: {  	s2 =	simm.s32 $0x0;
	s1 =	rddreg [dreg:$0x4];
	s10 =	sor.u32 s5, s4  }
0x6: {  	[smem:$0x7FF] =	sst s2;
	s13 =	sshrl.u32 s10, $0x3  }
0x7: {  	_ =	strace $0x80000047;
	s4 =	sadd.s32 s3, s13;
	s3 =	simm.s32 $0x2  }
0x8: {  	[tilespmem:s2], [sflag:$0x2] =	stream.linear.gather [hbm4b:s4+s2], $0x80, $0x38;
	[tilespmem:$0x2080] =	vst v63  }
0x9: {  	_ =	swait.ge [sflag:s3], $0x80  }
0xa: {  	s6 =	simm.s32 $0x80;
	[sflag:s3] =	ssyncset.done $0x0  }
0xb: {  	s7 =	simm.s32 $0x1;
	s5 =	sadd.s32 $0x3C00, s11;
	[sflag:s3] =	ssyncadd.s32 $0xFFFFFF80  }
0xc: {  	[tilespmem:s6], [sflag:$0x1] =	stream.indirect.gather [hbm4b:s5+s6], $0x40, s2, s6, $0xb8;
	[tilespmem:$0x2080] =	vst v63  }
0xd: {  	_ =	swait.ge [sflag:s7], $0x2000  }
0xe: {  	s14 =	sshll.u32 s10, $0x3;
	[sflag:s7] =	ssyncset.done $0x0  }
0xf: {  	s8 =	sadd.s32 s8, s14;
	[sflag:s7] =	ssyncadd.s32 $0xFFFFE000  }
0x10: {  	[hbm4b:s8+s2] =	stream.linear.scatter [tilespmem:s6], [sflag:$0x2], $0x2000, $0x38;
	[tilespmem:$0x2080] =	vst v63  }
0x11: {  	_ =	swait.ge [sflag:s3], $0x2000  }
0x12: {  	[sflag:s3] =	ssyncset.done $0x0  }
0x13: {  	s12 =	ssub.s32 $0x2, s12;
	s9 =	sadd.s32 s9, s13;
	[sflag:s3] =	ssyncadd.s32 $0xFFFFE000  }
0x14: {  	[tilespmem:s2], [sflag:$0x2] =	stream.linear.gather [hbm4b:s9+s2], $0x80, $0x38;
	[tilespmem:$0x2080] =	vst v63  }
0x15: {  	s31 =	sshrl.u32 s12, $0x1;
	_ =	swait.ge [sflag:s3], $0x80  }
0x16: {  	s12 =	ssub.s32 s12, s31;
	[sflag:s3] =	ssyncset.done $0x0  }
0x17: {  	s10 =	sadd.s32 $0xC7200, s11;
	s12 =	smax.u32 s12, $0x1;
	[sflag:s3] =	ssyncadd.s32 $0xFFFFFF80  }
0x18: {  	[tilespmem:s6], [sflag:$0x1] =	stream.indirect.gather [hbm4b:s10+s6], $0x40, s2, s6, $0xb8;
	[tilespmem:$0x2080] =	vst v63  }
0x19: {  	p0 =	sne.s32 s12, $0x1;
	_ =	swait.ge [sflag:s7], $0x2000  }
.Ltmp0:
0x1a: {  	s11 =	sadd.s32 s14, s11;
	[sflag:s7] =	ssyncset.done $0x0;
	(pc) =	sbr.rel @!p0 .LBB2_2-.Ltmp0, $4  }
0x1b: {  	s11 =	sadd.s32 $0x18A800, s11;
	[sflag:s7] =	ssyncadd.s32 $0xFFFFE000  }
0x1c: {  	[hbm4b:s11+s2] =	stream.linear.scatter [tilespmem:s6], [sflag:$0x2], $0x2000, $0x38;
	[tilespmem:$0x2080] =	vst v63  }
0x1d: {  	_ =	swait.ge [sflag:s3], $0x2000  }
0x1e: {  	s12 =	sadd.s32 $0xFFFFFFFF, s12;
	[sflag:s3] =	ssyncset.done $0x0  }
.LBB2_1:
0x1f: {  	p0 =	sne.s32 s12, $0x1;
	s12 =	sadd.s32 $0xFFFFFFFF, s12;
	[sflag:s3] =	ssyncadd.s32 $0xFFFFE000  }
0x20: {  	[tilespmem:s2], [sflag:$0x2] =	stream.linear.gather [hbm4b:s4+s2], $0x80, $0x38;
	[tilespmem:$0x2080] =	vst v63  }
0x21: {  	_ =	swait.ge [sflag:s3], $0x80  }
0x22: {  	[sflag:s3] =	ssyncset.done $0x0  }
0x23: {  	[sflag:s3] =	ssyncadd.s32 $0xFFFFFF80  }
0x24: {  	[tilespmem:s6], [sflag:$0x1] =	stream.indirect.gather [hbm4b:s5+s6], $0x40, s2, s6, $0xb8;
	[tilespmem:$0x2080] =	vst v63  }
0x25: {  	_ =	swait.ge [sflag:s7], $0x2000  }
0x26: {  	[sflag:s7] =	ssyncset.done $0x0  }
0x27: {  	[sflag:s7] =	ssyncadd.s32 $0xFFFFE000  }
0x28: {  	[hbm4b:s8+s2] =	stream.linear.scatter [tilespmem:s6], [sflag:$0x2], $0x2000, $0x38;
	[tilespmem:$0x2080] =	vst v63  }
0x29: {  	_ =	swait.ge [sflag:s3], $0x2000  }
0x2a: {  	[sflag:s3] =	ssyncset.done $0x0  }
0x2b: {  	[sflag:s3] =	ssyncadd.s32 $0xFFFFE000  }
0x2c: {  	[tilespmem:s2], [sflag:$0x2] =	stream.linear.gather [hbm4b:s9+s2], $0x80, $0x38;
	[tilespmem:$0x2080] =	vst v63  }
0x2d: {  	_ =	swait.ge [sflag:s3], $0x80  }
0x2e: {  	[sflag:s3] =	ssyncset.done $0x0  }
0x2f: {  	[sflag:s3] =	ssyncadd.s32 $0xFFFFFF80  }
0x30: {  	[tilespmem:s6], [sflag:$0x1] =	stream.indirect.gather [hbm4b:s10+s6], $0x40, s2, s6, $0xb8;
	[tilespmem:$0x2080] =	vst v63  }
0x31: {  	_ =	swait.ge [sflag:s7], $0x2000  }
.Ltmp1:
0x32: {  	[sflag:s7] =	ssyncset.done $0x0;
	(pc) =	sbr.rel @p0 .LBB2_1-.Ltmp1, $4  }
0x33: {  	[sflag:s7] =	ssyncadd.s32 $0xFFFFE000  }
0x34: {  	[hbm4b:s11+s2] =	stream.linear.scatter [tilespmem:s6], [sflag:$0x2], $0x2000, $0x38;
	[tilespmem:$0x2080] =	vst v63  }
0x35: {  	_ =	swait.ge [sflag:s3], $0x2000  }
0x36: {  	[sflag:s3] =	ssyncset.done $0x0  }
.LBB2_2:
0x37: {  	[sflag:s3] =	ssyncadd.s32 $0xFFFFE000  }
0x38: {  	_ =	sfence.sel $0x180000  }
0x39: {  	[bflag:$0x0] =	sbarrier.arrive $0xFFFF  }
0x3a: {  	p0 =	sne.s32 s0, $0x0;
	_ =	strace $0x90000047  }
0x3b: {  	s0 =	sadd.s32 @!p0 $0x100000, s1;
	[bflag:$0x2] =	sbarrier.arrive $0xFFFF  }
0x3c: {  	[sflag:s0] =	ssyncadd.tile.s32 @!p0 $0x1;
	_ =	shalt  }
.Lfunc_end2:
_tile_overlayer_lowered:
.L_overlay_start_2:
0x3d: {  	(tag) =	ssettag $0x2  }
0x3e: {  	s0 =	rddreg [dreg:$0x0];
	s2 =	stileid.u32  }
0x3f: {  	s1 =	rddreg [dreg:$0x1];
	p0 =	sne.s32 s2, $0x0  }
0x40: {  	s3 =	rddreg [dreg:$0x2];
	[bflag:$0x3] =	sbarrier.arrive $0xFFFF;
	s2 =	simm.s32 @!p0 $0x1C02  }
0x41: {  	[timem:s3], [sflag:s2] =	dma.local @!p0 [hbm:s0], s1  }
0x42: {  	s0 =	simm.s32 @!p0 $0x2  }
0x43: {  	_ =	swait.ge @!p0 [sflag:s0], s1  }
0x44: {  	s1 =	ssub.s32 @!p0 $0x0, s1;
	[sflag:s0] =	ssyncset.done @!p0 $0x0  }
0x45: {  	[sflag:s0] =	ssyncadd.s32 @!p0 s1  }
0x46: {  	[bflag:$0x3] =	sbarrier.arrive $0xFFFF  }
0x47: {  	_ =	shalt  }

</sc_bundles>
